<compile_context>
chip_gen: v7x
topology: tpu7x:2x2x1
jax: 0.10.2.dev20260603
libtpu: 0.0.44.dev20260713+nightly
codegen_flags: <defaults>
</compile_context>

<pallas_src>
import functools

import jax
import jax.numpy as jnp
from jax import lax
from jax.experimental import pallas as pl
from jax.experimental.pallas import tpu as pltpu
from jax.experimental.pallas import tpu_sc as plsc

_N_ROWS = 100000
_D = 128
_NC = 2
_NS = 16
_NW = _NC * _NS
_RPW = 3200
_MASK_PAD = _NW * _RPW
_LANES = 16
_BLK = 5000


def _sc_build_mask(idx32):
    n_idx = idx32.shape[0]
    mesh = plsc.VectorSubcoreMesh(core_axis_name="c", subcore_axis_name="s")

    @functools.partial(
        pl.kernel,
        mesh=mesh,
        out_type=jax.ShapeDtypeStruct((_MASK_PAD,), jnp.float32),
        scratch_types=[
            pltpu.VMEM((n_idx,), jnp.int32),
            pltpu.VMEM((_RPW,), jnp.float32),
        ],
        compiler_params=pltpu.CompilerParams(needs_layout_passes=False),
    )
    def mask_kernel(idx_hbm, mask_hbm, idx_v, mask_v):
        wid = lax.axis_index("s") * _NC + lax.axis_index("c")
        base = wid * _RPW
        pltpu.sync_copy(idx_hbm, idx_v)

        zero = jnp.zeros((_LANES,), jnp.float32)

        def zero_body(i, c):
            mask_v[pl.ds(i * _LANES, _LANES)] = zero
            return c

        lax.fori_loop(0, _RPW // _LANES, zero_body, 0, unroll=8)

        one = jnp.ones((_LANES,), jnp.float32)

        def scan_body(j, c):
            rel = idx_v[pl.ds(j * _LANES, _LANES)] - base
            inb = (rel >= 0) & (rel < _RPW)
            plsc.store_scatter(mask_v, [rel], one, mask=inb)
            return c

        lax.fori_loop(0, n_idx // _LANES, scan_body, 0, unroll=8)

        pltpu.sync_copy(mask_v, mask_hbm.at[pl.ds(base, _RPW)])

    return mask_kernel(idx32)


def _tc_select(x, mask2d, value):

    def body(val_ref, mask_ref, x_ref, o_ref):
        o_ref[...] = jnp.where(mask_ref[...] != 0.0, val_ref[0], x_ref[...])

    return pl.pallas_call(
        body,
        grid=(_N_ROWS // _BLK,),
        in_specs=[
            pl.BlockSpec(memory_space=pltpu.SMEM),
            pl.BlockSpec((_BLK, 1), lambda i: (i, 0)),
            pl.BlockSpec((_BLK, _D), lambda i: (i, 0)),
        ],
        out_specs=pl.BlockSpec((_BLK, _D), lambda i: (i, 0)),
        out_shape=jax.ShapeDtypeStruct((_N_ROWS, _D), jnp.float32),
    )(jnp.reshape(value, (1,)), mask2d, x)


def kernel(x, dim, index, value, out):
    idx32 = (index + dim).astype(jnp.int32)
    mask = _sc_build_mask(idx32)
    return _tc_select(x, mask.reshape(_MASK_PAD, 1), value)

# --- scband reference (transcript-rebuilt; emitter-appended) ---
"""Pipeline reference for scband-torch-ops-aten-index-fill-int-tensor-out-module-82102594830926 (READ-ONLY COPY).

The authoritative reference and input builder live on the scoring server;
editing this copy changes nothing except your own understanding.
"""

import jax, jax.numpy as jnp
import numpy as np


def setup_inputs(seed: int = 0) -> dict:
    key = jax.random.key(seed)
    k1, k2, k3 = jax.random.split(key, 3)
    x = jax.random.normal(k1, (100000, 128), dtype=jnp.float32)
    dim = 0
    index = jax.random.randint(k2, (16384,), 0, 100000, dtype=jnp.int64)
    value = jax.random.normal(k3, (), dtype=jnp.float32)
    out = jnp.zeros((100000, 128), dtype=jnp.float32)
    return {"x": x, "dim": dim, "index": index, "value": value, "out": out}


def reference(x, dim, index, value, out):
    # aten.index_fill.int_Tensor_out: fill slices of x along `dim` at positions
    # `index` with the scalar tensor `value`, writing the result into `out`.
    # Functionally: out = index_fill(x, dim, index, value).
    xm = jnp.moveaxis(x, 0, 0)
    filled = xm.at[index + dim].set(value)
    res = jnp.moveaxis(filled, 0, 0)
    return res

if __name__ == "__main__":
    import jax
    _d = setup_inputs()
    print(jax.jit(kernel)(*tuple(_d.values())))

</pallas_src>

<mosaic_0001>
#map = affine_map<(d0, d1) -> (0)>
module attributes {stable_mosaic.version = 14 : i64} {
  func.func @mask_kernel(%arg0: i32, %arg1: i32, %arg2: memref<16384xi32, #tpu.memory_space<hbm>>, %arg3: memref<102400xf32, #tpu.memory_space<hbm>>, %arg4: memref<16384xi32, #tpu.memory_space<vmem>>, %arg5: memref<3200xf32, #tpu.memory_space<vmem>>) attributes {dimension_semantics = [#tpu.dimension_semantics<core_parallel>, #tpu.dimension_semantics<subcore_parallel>], iteration_bounds = array<i64: 2, 16>, scalar_prefetch = 0 : i64, scratch_operands = 2 : i64, tpu.core_type = #tpu.core_type<sc_vector_subcore>, window_params = [{transform_indices = #map}, {transform_indices = #map}]} {
    %mul3A = arith.constant 2 : i32
    %mul3A_0 = arith.muli %arg1, %mul3A : i32
    %add3A = arith.addi %mul3A_0, %arg0 : i32
    %mul3A_1 = arith.constant 3200 : i32
    %mul3A_2 = arith.muli %add3A, %mul3A_1 : i32
    "tpu.region"() ({
      %run_scoped3A = tpu.sem_alloc : memref<!tpu.dma_semaphore, #tpu.memory_space<semaphore_mem>>
      tpu.enqueue_dma source(%arg2 : memref<16384xi32, #tpu.memory_space<hbm>>) target(%arg4 : memref<16384xi32, #tpu.memory_space<vmem>>) target_semaphore(%run_scoped3A : memref<!tpu.dma_semaphore, #tpu.memory_space<semaphore_mem>>)
      tpu.wait_dma2 semaphore(%run_scoped3A : memref<!tpu.dma_semaphore, #tpu.memory_space<semaphore_mem>>) src(%arg2 : memref<16384xi32, #tpu.memory_space<hbm>>) dst(%arg4 : memref<16384xi32, #tpu.memory_space<vmem>>)
      tpu.yield
    }) : () -> ()
    %broadcast_in_dim3A = arith.constant 0.000000e+00 : f32
    %broadcast_in_dim3A_3 = vector.broadcast %broadcast_in_dim3A : f32 to vector<16xf32>
    %scan3A = arith.constant 0 : i32
    %scan3A_4 = arith.constant 0 : i32
    %scan3A_5 = arith.constant 200 : i32
    %scan3A_6 = arith.addi %scan3A_4, %scan3A_5 : i32
    %scan3A_7 = arith.constant 8 : i32
    scf.for %scan3A_17 = %scan3A_4 to %scan3A_6 step %scan3A_7  : i32 {
      %mul3A_18 = arith.constant 16 : i32
      %mul3A_19 = arith.muli %scan3A_17, %mul3A_18 : i32
      %swap3A = arith.index_cast %mul3A_19 : i32 to index
      %swap3A_20 = tpu.vector_load %arg5[%swap3A] {strides = array<i32>} : memref<3200xf32, #tpu.memory_space<vmem>>, vector<16xf32>,
      tpu.vector_store %arg5[%swap3A], %broadcast_in_dim3A_3 {strides = array<i32>} : memref<3200xf32, #tpu.memory_space<vmem>>, vector<16xf32>,
      %scan3A_21 = arith.constant 1 : i32
      %scan3A_22 = arith.addi %scan3A_17, %scan3A_21 : i32
      %mul3A_23 = arith.constant 16 : i32
      %mul3A_24 = arith.muli %scan3A_22, %mul3A_23 : i32
      %swap3A_25 = arith.index_cast %mul3A_24 : i32 to index
      %swap3A_26 = tpu.vector_load %arg5[%swap3A_25] {strides = array<i32>} : memref<3200xf32, #tpu.memory_space<vmem>>, vector<16xf32>,
      tpu.vector_store %arg5[%swap3A_25], %broadcast_in_dim3A_3 {strides = array<i32>} : memref<3200xf32, #tpu.memory_space<vmem>>, vector<16xf32>,
      %scan3A_27 = arith.constant 2 : i32
      %scan3A_28 = arith.addi %scan3A_17, %scan3A_27 : i32
      %mul3A_29 = arith.constant 16 : i32
      %mul3A_30 = arith.muli %scan3A_28, %mul3A_29 : i32
      %swap3A_31 = arith.index_cast %mul3A_30 : i32 to index
      %swap3A_32 = tpu.vector_load %arg5[%swap3A_31] {strides = array<i32>} : memref<3200xf32, #tpu.memory_space<vmem>>, vector<16xf32>,
      tpu.vector_store %arg5[%swap3A_31], %broadcast_in_dim3A_3 {strides = array<i32>} : memref<3200xf32, #tpu.memory_space<vmem>>, vector<16xf32>,
      %scan3A_33 = arith.constant 3 : i32
      %scan3A_34 = arith.addi %scan3A_17, %scan3A_33 : i32
      %mul3A_35 = arith.constant 16 : i32
      %mul3A_36 = arith.muli %scan3A_34, %mul3A_35 : i32
      %swap3A_37 = arith.index_cast %mul3A_36 : i32 to index
      %swap3A_38 = tpu.vector_load %arg5[%swap3A_37] {strides = array<i32>} : memref<3200xf32, #tpu.memory_space<vmem>>, vector<16xf32>,
      tpu.vector_store %arg5[%swap3A_37], %broadcast_in_dim3A_3 {strides = array<i32>} : memref<3200xf32, #tpu.memory_space<vmem>>, vector<16xf32>,
      %scan3A_39 = arith.constant 4 : i32
      %scan3A_40 = arith.addi %scan3A_17, %scan3A_39 : i32
      %mul3A_41 = arith.constant 16 : i32
      %mul3A_42 = arith.muli %scan3A_40, %mul3A_41 : i32
      %swap3A_43 = arith.index_cast %mul3A_42 : i32 to index
      %swap3A_44 = tpu.vector_load %arg5[%swap3A_43] {strides = array<i32>} : memref<3200xf32, #tpu.memory_space<vmem>>, vector<16xf32>,
      tpu.vector_store %arg5[%swap3A_43], %broadcast_in_dim3A_3 {strides = array<i32>} : memref<3200xf32, #tpu.memory_space<vmem>>, vector<16xf32>,
      %scan3A_45 = arith.constant 5 : i32
      %scan3A_46 = arith.addi %scan3A_17, %scan3A_45 : i32
      %mul3A_47 = arith.constant 16 : i32
      %mul3A_48 = arith.muli %scan3A_46, %mul3A_47 : i32
      %swap3A_49 = arith.index_cast %mul3A_48 : i32 to index
      %swap3A_50 = tpu.vector_load %arg5[%swap3A_49] {strides = array<i32>} : memref<3200xf32, #tpu.memory_space<vmem>>, vector<16xf32>,
      tpu.vector_store %arg5[%swap3A_49], %broadcast_in_dim3A_3 {strides = array<i32>} : memref<3200xf32, #tpu.memory_space<vmem>>, vector<16xf32>,
      %scan3A_51 = arith.constant 6 : i32
      %scan3A_52 = arith.addi %scan3A_17, %scan3A_51 : i32
      %mul3A_53 = arith.constant 16 : i32
      %mul3A_54 = arith.muli %scan3A_52, %mul3A_53 : i32
      %swap3A_55 = arith.index_cast %mul3A_54 : i32 to index
      %swap3A_56 = tpu.vector_load %arg5[%swap3A_55] {strides = array<i32>} : memref<3200xf32, #tpu.memory_space<vmem>>, vector<16xf32>,
      tpu.vector_store %arg5[%swap3A_55], %broadcast_in_dim3A_3 {strides = array<i32>} : memref<3200xf32, #tpu.memory_space<vmem>>, vector<16xf32>,
      %scan3A_57 = arith.constant 7 : i32
      %scan3A_58 = arith.addi %scan3A_17, %scan3A_57 : i32
      %mul3A_59 = arith.constant 16 : i32
      %mul3A_60 = arith.muli %scan3A_58, %mul3A_59 : i32
      %swap3A_61 = arith.index_cast %mul3A_60 : i32 to index
      %swap3A_62 = tpu.vector_load %arg5[%swap3A_61] {strides = array<i32>} : memref<3200xf32, #tpu.memory_space<vmem>>, vector<16xf32>,
      tpu.vector_store %arg5[%swap3A_61], %broadcast_in_dim3A_3 {strides = array<i32>} : memref<3200xf32, #tpu.memory_space<vmem>>, vector<16xf32>,
    }
    %scan3A_8 = arith.constant 200 : i32
    %broadcast_in_dim3A_9 = arith.constant 1.000000e+00 : f32
    %broadcast_in_dim3A_10 = vector.broadcast %broadcast_in_dim3A_9 : f32 to vector<16xf32>
    %scan3A_11 = arith.constant 0 : i32
    %scan3A_12 = arith.constant 0 : i32
    %scan3A_13 = arith.constant 1024 : i32
    %scan3A_14 = arith.addi %scan3A_12, %scan3A_13 : i32
    %scan3A_15 = arith.constant 8 : i32
    scf.for %scan3A_17 = %scan3A_12 to %scan3A_14 step %scan3A_15  : i32 {
      %mul3A_18 = arith.constant 16 : i32
      %mul3A_19 = arith.muli %scan3A_17, %mul3A_18 : i32
      %get3A = arith.index_cast %mul3A_19 : i32 to index
      %get3A_20 = tpu.vector_load %arg4[%get3A] {strides = array<i32>} : memref<16384xi32, #tpu.memory_space<vmem>>, vector<16xi32>,
      %sub3A = vector.broadcast %mul3A_2 : i32 to vector<16xi32>
      %sub3A_21 = arith.subi %get3A_20, %sub3A : vector<16xi32>
      %ge3A = arith.constant 0 : i32
      %ge3A_22 = vector.broadcast %ge3A : i32 to vector<16xi32>
      %ge3A_23 = arith.cmpi sge, %sub3A_21, %ge3A_22 : vector<16xi32>
      %lt3A = arith.constant 3200 : i32
      %lt3A_24 = vector.broadcast %lt3A : i32 to vector<16xi32>
      %lt3A_25 = arith.cmpi slt, %sub3A_21, %lt3A_24 : vector<16xi32>
      %and3A = arith.andi %ge3A_23, %lt3A_25 : vector<16xi1>
      tpu.vector_store_idx %arg5[%sub3A_21], %broadcast_in_dim3A_10 masked %and3A : memref<3200xf32, #tpu.memory_space<vmem>>[vector<16xi32>], vector<16xf32>, vector<16xi1>
      %scan3A_26 = arith.constant 1 : i32
      %scan3A_27 = arith.addi %scan3A_17, %scan3A_26 : i32
      %mul3A_28 = arith.constant 16 : i32
      %mul3A_29 = arith.muli %scan3A_27, %mul3A_28 : i32
      %get3A_30 = arith.index_cast %mul3A_29 : i32 to index
      %get3A_31 = tpu.vector_load %arg4[%get3A_30] {strides = array<i32>} : memref<16384xi32, #tpu.memory_space<vmem>>, vector<16xi32>,
      %sub3A_32 = vector.broadcast %mul3A_2 : i32 to vector<16xi32>
      %sub3A_33 = arith.subi %get3A_31, %sub3A_32 : vector<16xi32>
      %ge3A_34 = arith.constant 0 : i32
      %ge3A_35 = vector.broadcast %ge3A_34 : i32 to vector<16xi32>
      %ge3A_36 = arith.cmpi sge, %sub3A_33, %ge3A_35 : vector<16xi32>
      %lt3A_37 = arith.constant 3200 : i32
      %lt3A_38 = vector.broadcast %lt3A_37 : i32 to vector<16xi32>
      %lt3A_39 = arith.cmpi slt, %sub3A_33, %lt3A_38 : vector<16xi32>
      %and3A_40 = arith.andi %ge3A_36, %lt3A_39 : vector<16xi1>
      tpu.vector_store_idx %arg5[%sub3A_33], %broadcast_in_dim3A_10 masked %and3A_40 : memref<3200xf32, #tpu.memory_space<vmem>>[vector<16xi32>], vector<16xf32>, vector<16xi1>
      %scan3A_41 = arith.constant 2 : i32
      %scan3A_42 = arith.addi %scan3A_17, %scan3A_41 : i32
      %mul3A_43 = arith.constant 16 : i32
      %mul3A_44 = arith.muli %scan3A_42, %mul3A_43 : i32
      %get3A_45 = arith.index_cast %mul3A_44 : i32 to index
      %get3A_46 = tpu.vector_load %arg4[%get3A_45] {strides = array<i32>} : memref<16384xi32, #tpu.memory_space<vmem>>, vector<16xi32>,
      %sub3A_47 = vector.broadcast %mul3A_2 : i32 to vector<16xi32>
      %sub3A_48 = arith.subi %get3A_46, %sub3A_47 : vector<16xi32>
      %ge3A_49 = arith.constant 0 : i32
      %ge3A_50 = vector.broadcast %ge3A_49 : i32 to vector<16xi32>
      %ge3A_51 = arith.cmpi sge, %sub3A_48, %ge3A_50 : vector<16xi32>
      %lt3A_52 = arith.constant 3200 : i32
      %lt3A_53 = vector.broadcast %lt3A_52 : i32 to vector<16xi32>
      %lt3A_54 = arith.cmpi slt, %sub3A_48, %lt3A_53 : vector<16xi32>
      %and3A_55 = arith.andi %ge3A_51, %lt3A_54 : vector<16xi1>
      tpu.vector_store_idx %arg5[%sub3A_48], %broadcast_in_dim3A_10 masked %and3A_55 : memref<3200xf32, #tpu.memory_space<vmem>>[vector<16xi32>], vector<16xf32>, vector<16xi1>
      %scan3A_56 = arith.constant 3 : i32
      %scan3A_57 = arith.addi %scan3A_17, %scan3A_56 : i32
      %mul3A_58 = arith.constant 16 : i32
      %mul3A_59 = arith.muli %scan3A_57, %mul3A_58 : i32
      %get3A_60 = arith.index_cast %mul3A_59 : i32 to index
      %get3A_61 = tpu.vector_load %arg4[%get3A_60] {strides = array<i32>} : memref<16384xi32, #tpu.memory_space<vmem>>, vector<16xi32>,
      %sub3A_62 = vector.broadcast %mul3A_2 : i32 to vector<16xi32>
      %sub3A_63 = arith.subi %get3A_61, %sub3A_62 : vector<16xi32>
      %ge3A_64 = arith.constant 0 : i32
      %ge3A_65 = vector.broadcast %ge3A_64 : i32 to vector<16xi32>
      %ge3A_66 = arith.cmpi sge, %sub3A_63, %ge3A_65 : vector<16xi32>
      %lt3A_67 = arith.constant 3200 : i32
      %lt3A_68 = vector.broadcast %lt3A_67 : i32 to vector<16xi32>
      %lt3A_69 = arith.cmpi slt, %sub3A_63, %lt3A_68 : vector<16xi32>
      %and3A_70 = arith.andi %ge3A_66, %lt3A_69 : vector<16xi1>
      tpu.vector_store_idx %arg5[%sub3A_63], %broadcast_in_dim3A_10 masked %and3A_70 : memref<3200xf32, #tpu.memory_space<vmem>>[vector<16xi32>], vector<16xf32>, vector<16xi1>
      %scan3A_71 = arith.constant 4 : i32
      %scan3A_72 = arith.addi %scan3A_17, %scan3A_71 : i32
      %mul3A_73 = arith.constant 16 : i32
      %mul3A_74 = arith.muli %scan3A_72, %mul3A_73 : i32
      %get3A_75 = arith.index_cast %mul3A_74 : i32 to index
      %get3A_76 = tpu.vector_load %arg4[%get3A_75] {strides = array<i32>} : memref<16384xi32, #tpu.memory_space<vmem>>, vector<16xi32>,
      %sub3A_77 = vector.broadcast %mul3A_2 : i32 to vector<16xi32>
      %sub3A_78 = arith.subi %get3A_76, %sub3A_77 : vector<16xi32>
      %ge3A_79 = arith.constant 0 : i32
      %ge3A_80 = vector.broadcast %ge3A_79 : i32 to vector<16xi32>
      %ge3A_81 = arith.cmpi sge, %sub3A_78, %ge3A_80 : vector<16xi32>
      %lt3A_82 = arith.constant 3200 : i32
      %lt3A_83 = vector.broadcast %lt3A_82 : i32 to vector<16xi32>
      %lt3A_84 = arith.cmpi slt, %sub3A_78, %lt3A_83 : vector<16xi32>
      %and3A_85 = arith.andi %ge3A_81, %lt3A_84 : vector<16xi1>
      tpu.vector_store_idx %arg5[%sub3A_78], %broadcast_in_dim3A_10 masked %and3A_85 : memref<3200xf32, #tpu.memory_space<vmem>>[vector<16xi32>], vector<16xf32>, vector<16xi1>
      %scan3A_86 = arith.constant 5 : i32
      %scan3A_87 = arith.addi %scan3A_17, %scan3A_86 : i32
      %mul3A_88 = arith.constant 16 : i32
      %mul3A_89 = arith.muli %scan3A_87, %mul3A_88 : i32
      %get3A_90 = arith.index_cast %mul3A_89 : i32 to index
      %get3A_91 = tpu.vector_load %arg4[%get3A_90] {strides = array<i32>} : memref<16384xi32, #tpu.memory_space<vmem>>, vector<16xi32>,
      %sub3A_92 = vector.broadcast %mul3A_2 : i32 to vector<16xi32>
      %sub3A_93 = arith.subi %get3A_91, %sub3A_92 : vector<16xi32>
      %ge3A_94 = arith.constant 0 : i32
      %ge3A_95 = vector.broadcast %ge3A_94 : i32 to vector<16xi32>
      %ge3A_96 = arith.cmpi sge, %sub3A_93, %ge3A_95 : vector<16xi32>
      %lt3A_97 = arith.constant 3200 : i32
      %lt3A_98 = vector.broadcast %lt3A_97 : i32 to vector<16xi32>
      %lt3A_99 = arith.cmpi slt, %sub3A_93, %lt3A_98 : vector<16xi32>
      %and3A_100 = arith.andi %ge3A_96, %lt3A_99 : vector<16xi1>
      tpu.vector_store_idx %arg5[%sub3A_93], %broadcast_in_dim3A_10 masked %and3A_100 : memref<3200xf32, #tpu.memory_space<vmem>>[vector<16xi32>], vector<16xf32>, vector<16xi1>
      %scan3A_101 = arith.constant 6 : i32
      %scan3A_102 = arith.addi %scan3A_17, %scan3A_101 : i32
      %mul3A_103 = arith.constant 16 : i32
      %mul3A_104 = arith.muli %scan3A_102, %mul3A_103 : i32
      %get3A_105 = arith.index_cast %mul3A_104 : i32 to index
      %get3A_106 = tpu.vector_load %arg4[%get3A_105] {strides = array<i32>} : memref<16384xi32, #tpu.memory_space<vmem>>, vector<16xi32>,
      %sub3A_107 = vector.broadcast %mul3A_2 : i32 to vector<16xi32>
      %sub3A_108 = arith.subi %get3A_106, %sub3A_107 : vector<16xi32>
      %ge3A_109 = arith.constant 0 : i32
      %ge3A_110 = vector.broadcast %ge3A_109 : i32 to vector<16xi32>
      %ge3A_111 = arith.cmpi sge, %sub3A_108, %ge3A_110 : vector<16xi32>
      %lt3A_112 = arith.constant 3200 : i32
      %lt3A_113 = vector.broadcast %lt3A_112 : i32 to vector<16xi32>
      %lt3A_114 = arith.cmpi slt, %sub3A_108, %lt3A_113 : vector<16xi32>
      %and3A_115 = arith.andi %ge3A_111, %lt3A_114 : vector<16xi1>
      tpu.vector_store_idx %arg5[%sub3A_108], %broadcast_in_dim3A_10 masked %and3A_115 : memref<3200xf32, #tpu.memory_space<vmem>>[vector<16xi32>], vector<16xf32>, vector<16xi1>
      %scan3A_116 = arith.constant 7 : i32
      %scan3A_117 = arith.addi %scan3A_17, %scan3A_116 : i32
      %mul3A_118 = arith.constant 16 : i32
      %mul3A_119 = arith.muli %scan3A_117, %mul3A_118 : i32
      %get3A_120 = arith.index_cast %mul3A_119 : i32 to index
      %get3A_121 = tpu.vector_load %arg4[%get3A_120] {strides = array<i32>} : memref<16384xi32, #tpu.memory_space<vmem>>, vector<16xi32>,
      %sub3A_122 = vector.broadcast %mul3A_2 : i32 to vector<16xi32>
      %sub3A_123 = arith.subi %get3A_121, %sub3A_122 : vector<16xi32>
      %ge3A_124 = arith.constant 0 : i32
      %ge3A_125 = vector.broadcast %ge3A_124 : i32 to vector<16xi32>
      %ge3A_126 = arith.cmpi sge, %sub3A_123, %ge3A_125 : vector<16xi32>
      %lt3A_127 = arith.constant 3200 : i32
      %lt3A_128 = vector.broadcast %lt3A_127 : i32 to vector<16xi32>
      %lt3A_129 = arith.cmpi slt, %sub3A_123, %lt3A_128 : vector<16xi32>
      %and3A_130 = arith.andi %ge3A_126, %lt3A_129 : vector<16xi1>
      tpu.vector_store_idx %arg5[%sub3A_123], %broadcast_in_dim3A_10 masked %and3A_130 : memref<3200xf32, #tpu.memory_space<vmem>>[vector<16xi32>], vector<16xf32>, vector<16xi1>
    }
    %scan3A_16 = arith.constant 1024 : i32
    "tpu.region"() ({
      %run_scoped3A = tpu.sem_alloc : memref<!tpu.dma_semaphore, #tpu.memory_space<semaphore_mem>>
      %dma_start3A = tpu.memref_slice %arg3[%mul3A_2] : memref<102400xf32, #tpu.memory_space<hbm>> -> memref<3200xf32, #tpu.memory_space<hbm>>
      %dma_start3A_17 = tpu.memref_slice %arg3[%mul3A_2] : memref<102400xf32, #tpu.memory_space<hbm>> -> memref<3200xf32, #tpu.memory_space<hbm>>
      tpu.enqueue_dma source(%arg5 : memref<3200xf32, #tpu.memory_space<vmem>>) target(%dma_start3A_17 : memref<3200xf32, #tpu.memory_space<hbm>>) target_semaphore(%run_scoped3A : memref<!tpu.dma_semaphore, #tpu.memory_space<semaphore_mem>>)
      %dma_wait3A = tpu.memref_slice %arg3[%mul3A_2] : memref<102400xf32, #tpu.memory_space<hbm>> -> memref<3200xf32, #tpu.memory_space<hbm>>
      %dma_wait3A_18 = tpu.memref_slice %arg3[%mul3A_2] : memref<102400xf32, #tpu.memory_space<hbm>> -> memref<3200xf32, #tpu.memory_space<hbm>>
      tpu.wait_dma2 semaphore(%run_scoped3A : memref<!tpu.dma_semaphore, #tpu.memory_space<semaphore_mem>>) src(%arg5 : memref<3200xf32, #tpu.memory_space<vmem>>) dst(%dma_wait3A_18 : memref<3200xf32, #tpu.memory_space<hbm>>)
      tpu.yield
    }) : () -> ()
    return
  }
}

module attributes {stable_mosaic.version = 14 : i64} {
  func.func @body(%arg0: i32, %arg1: memref<1xf32, #tpu.memory_space<smem>>, %arg2: memref<5000x1xf32, #tpu.memory_space<vmem>>, %arg3: memref<5000x128xf32, #tpu.memory_space<vmem>>, %arg4: memref<5000x128xf32, #tpu.memory_space<vmem>>) attributes {dimension_semantics = [#tpu.dimension_semantics<arbitrary>], iteration_bounds = array<i64: 20>, scalar_prefetch = 0 : i64, scratch_operands = 0 : i64, tpu.core_type = #tpu.core_type<tc>, window_params = [{transform_indices = @transform_0, window_bounds = array<i64: 1>}, {transform_indices = @transform_1, window_bounds = array<i64: 5000, 1>}, {transform_indices = @transform_2, window_bounds = array<i64: 5000, 128>}, {transform_indices = @transform_3, window_bounds = array<i64: 5000, 128>}]} {
    %get3A = arith.constant 0 : index
    %get3A_0 = arith.constant 0 : index
    %get3A_1 = vector.load %arg2[%get3A, %get3A_0] : memref<5000x1xf32, #tpu.memory_space<vmem>>, vector<5000x1xf32>
    %ne3A = arith.constant 0.000000e+00 : f32
    %ne3A_2 = vector.broadcast %ne3A : f32 to vector<5000x1xf32>
    %ne3A_3 = arith.cmpf one, %get3A_1, %ne3A_2 : vector<5000x1xf32>
    %get3A_4 = arith.constant 0 : index
    %get3A_5 = memref.load %arg1[%get3A_4] : memref<1xf32, #tpu.memory_space<smem>>
    %get3A_6 = arith.constant 0 : index
    %get3A_7 = arith.constant 0 : index
    %get3A_8 = vector.load %arg3[%get3A_6, %get3A_7] : memref<5000x128xf32, #tpu.memory_space<vmem>>, vector<5000x128xf32>
    %broadcast_in_dim3A = vector.shape_cast %ne3A_3 : vector<5000x1xi1> to vector<5000x1xi1>
    %broadcast_in_dim3A_9 = vector.broadcast %broadcast_in_dim3A : vector<5000x1xi1> to vector<5000x128xi1>
    %broadcast_in_dim3A_10 = vector.broadcast %get3A_5 : f32 to vector<5000x128xf32>
    %select_n3A = arith.select %broadcast_in_dim3A_9, %broadcast_in_dim3A_10, %get3A_8 : vector<5000x128xi1>, vector<5000x128xf32>
    %swap3A = arith.constant 0 : index
    %swap3A_11 = arith.constant 0 : index
    %swap3A_12 = vector.load %arg4[%swap3A, %swap3A_11] : memref<5000x128xf32, #tpu.memory_space<vmem>>, vector<5000x128xf32>
    tpu.vector_store %arg4[%swap3A, %swap3A_11], %select_n3A {strides = array<i32>} : memref<5000x128xf32, #tpu.memory_space<vmem>>, vector<5000x128xf32>,
    return
  }
  func.func @transform_0(%arg0: i32) -> i32 {
    %c0_i32 = arith.constant 0 : i32
    %c0_i32_0 = arith.constant 0 : i32
    return %c0_i32 : i32
  }
  func.func @transform_1(%arg0: i32) -> (i32, i32) {
    %c0_i32 = arith.constant 0 : i32
    %c0_i32_0 = arith.constant 0 : i32
    return %arg0, %c0_i32 : i32, i32
  }
  func.func @transform_2(%arg0: i32) -> (i32, i32) {
    %c0_i32 = arith.constant 0 : i32
    %c0_i32_0 = arith.constant 0 : i32
    return %arg0, %c0_i32 : i32, i32
  }
  func.func @transform_3(%arg0: i32) -> (i32, i32) {
    %c0_i32 = arith.constant 0 : i32
    %c0_i32_0 = arith.constant 0 : i32
    return %arg0, %c0_i32 : i32, i32
  }
}

</mosaic_0001>

<sc_bundles>
// kernel: kernel.4.cloned.1.call-start
scs
__scs_entry_jumppad:
0x0: {  	(pc) =	sbr.rel $0x88, $3  }
0x1: {  	(tag) =	ssettag $0x0;
	lr =	simm.s32 $0x1  }
0x2: {  	[smem:$0x3F9D] =	sst lr;
	_ =	strace $0xD0000000  }
0x3: {  	_ = 	snop  }
0x4: {  	_ = 	snop  }
0x5: {  	_ = 	snop  }
0x6: {  	_ = 	snop  }
0x7: {  	_ = 	snop  }
__scs_overlays_trampoline_lowered:
0x8: {  	[smem:$0x3FAC] =	sst s0  }
0x9: {  	[smem:$0x3FAD] =	sst s1  }
0xa: {  	[smem:$0x3FAE] =	sst s2  }
0xb: {  	[smem:$0x3FAF] =	sst s3  }
0xc: {  	[smem:$0x3FB0] =	sst s4  }
0xd: {  	[smem:$0x3FB1] =	sst s5  }
0xe: {  	[smem:$0x3FB2] =	sst s6  }
0xf: {  	[smem:$0x3FB3] =	sst s7  }
0x10: {  	[smem:$0x3FB4] =	sst s8  }
0x11: {  	[smem:$0x3FB5] =	sst s9;
	s0 =	simm.s32 @!p0 $0x0  }
0x12: {  	s1 =	sld [smem:$0x3F9B];
	s0 =	simm.s32 @p0 $0x1  }
0x13: {  	[smem:$0x3FB6] =	sst s0;
	s0 =	simm.s32 @!p1 $0x0  }
0x14: {  	s2 =	sld [smem:$0x3F9A];
	s0 =	simm.s32 @p1 $0x1  }
0x15: {  	[smem:$0x3FB7] =	sst s0;
	s0 =	simm.s32 @!p2 $0x0  }
0x16: {  	s3 =	sld [smem:$0x3FDB];
	s0 =	simm.s32 @p2 $0x1  }
0x17: {  	s4 =	simm.s32 $0x1BF5;
	[smem:$0x3FB9] =	sst s0  }
0x18: {  	s0 =	sld [smem:$0x3F9C];
	_ =	swait.ge [sflag:s4], $0x0  }
0x19: {  	s7 =	sld [smem:$0x3F9D]  }
0x1a: {  	s8 =	sadd.s32 $0xFFFFE003, lr  }
0x1b: {  	s9 =	sadd.s32 $0xFFFFFEF7, lr;
	s5 =	simm.s32 $0xFFFFFFFF;
	p2 =	slt.u32 s8, $0xFFFFF086  }
0x1c: {  	p1 =	slt.u32 s9, $0xF7A;
	s5 =	simm.s32 @!p2 $0x0  }
0x1d: {  	s5 =	simm.s32 @p1 $0x1;
	p0 =	seq.s32 s7, s2  }
0x1e: {  	s7 =	smul.u32 @!p0 $0xF7A, s2;
	p2 =	seq.s32 @!p0 s5, $0x0  }
0x1f: {  	s9 =	smul.u32 $0xF7A, s1;
	s8 =	simm.s32 @!p0 $0x1BF5;
	p2 =	por !p2, p0  }
0x20: {  	[sflag:s8] =	ssyncset.s32 @!p0 $0xFFFFF086;
	s6 =	sadd.s32 @!p0 s3, s7;
	s7 =	simm.s32 @!p0 $0x108  }
0x21: {  	s3 =	sadd.s32 s3, s9;
	s6 =	sadd.s32 @!p0 $0x88, s6;
	s7 =	simm.s32 @p2 $0x1082  }
0x22: {  	[simem:s7], [sflag:s8] =	dma.local @!p0 [hbm:s6], $0xF7A  }
0x23: {  	s9 =	sor.u32 $0xD0000000, s2;
	s6 =	simm.s32 $0x108;
	_ =	swait.ge @!p0 [sflag:s8], $0x0  }
0x24: {  	s3 =	sadd.s32 $0x88, s3;
	s6 =	simm.s32 @!p1 $0x1082;
	[sflag:s4] =	ssyncset.s32 $0xFFFFF086  }
0x25: {  	[simem:s6], [sflag:s4] =	dma.local [hbm:s3], $0xF7A  }
0x26: {  	[smem:$0x3F9D] =	sst s1;
	(tag) =	ssettag s2;
	_ =	strace s9  }
0x27: {  	s1 =	sld [smem:$0x3FAD]  }
0x28: {  	s2 =	sld [smem:$0x3FAE]  }
0x29: {  	s4 =	sld [smem:$0x3FB0]  }
0x2a: {  	p0 =	seq.s32 s5, $0x0;
	s5 =	sld [smem:$0x3FB1]  }
0x2b: {  	s6 =	sld [smem:$0x3FB2]  }
0x2c: {  	s7 =	sld [smem:$0x3FB3]  }
0x2d: {  	s3 =	simm.s32 $0x108;
	s8 =	sld [smem:$0x3FB4]  }
0x2e: {  	s3 =	simm.s32 @!p0 $0x1082;
	s9 =	sld [smem:$0x3FB5]  }
0x2f: {  	lr =	sadd.s32 s0, s3;
	s0 =	sld [smem:$0x3FAC]  }
0x30: {  	s3 =	sld [smem:$0x3FAF]  }
0x31: {  	[smem:$0x3FB8] =	sst s10  }
0x32: {  	s10 =	sld [smem:$0x3FB6];
	_ =	sdelay $0x3  }
0x33: {  	p0 =	seq.s32 s10, $0x1;
	s10 =	sld [smem:$0x3FB8];
	_ =	sdelay $0x3  }
0x34: {  	[smem:$0x3FB8] =	sst s10  }
0x35: {  	s10 =	sld [smem:$0x3FB7];
	_ =	sdelay $0x3  }
0x36: {  	p1 =	seq.s32 s10, $0x1;
	s10 =	sld [smem:$0x3FB8];
	_ =	sdelay $0x3  }
0x37: {  	[smem:$0x3FB8] =	sst s10  }
0x38: {  	s10 =	sld [smem:$0x3FB9]  }
0x39: {  	_ = 	snop;
	(pc) =	sbr.ind lr, $3  }
0x3a: {  	_ = 	snop  }
0x3b: {  	_ = 	snop  }
0x3c: {  	p2 =	seq.s32 s10, $0x1;
	s10 =	sld [smem:$0x3FB8]  }
0x3d: {  	_ =	shalt  }
0x3e: {  	_ =	shalt  }
0x3f: {  	_ =	shalt  }
0x40: {  	_ =	shalt  }
0x41: {  	_ =	shalt  }
0x42: {  	_ =	shalt  }
0x43: {  	_ =	shalt  }
0x44: {  	_ =	shalt  }
0x45: {  	_ =	shalt  }
0x46: {  	_ =	shalt  }
0x47: {  	_ =	shalt  }
0x48: {  	_ =	shalt  }
0x49: {  	_ =	shalt  }
0x4a: {  	_ =	shalt  }
0x4b: {  	_ =	shalt  }
0x4c: {  	_ =	shalt  }
0x4d: {  	_ =	shalt  }
0x4e: {  	_ =	shalt  }
0x4f: {  	_ =	shalt  }
0x50: {  	_ =	shalt  }
0x51: {  	_ =	shalt  }
0x52: {  	_ =	shalt  }
0x53: {  	_ =	shalt  }
0x54: {  	_ =	shalt  }
0x55: {  	_ =	shalt  }
0x56: {  	_ =	shalt  }
0x57: {  	_ =	shalt  }
0x58: {  	_ =	shalt  }
0x59: {  	_ =	shalt  }
0x5a: {  	_ =	shalt  }
0x5b: {  	_ =	shalt  }
0x5c: {  	_ =	shalt  }
0x5d: {  	_ =	shalt  }
0x5e: {  	_ =	shalt  }
0x5f: {  	_ =	shalt  }
0x60: {  	_ =	shalt  }
0x61: {  	_ =	shalt  }
0x62: {  	_ =	shalt  }
0x63: {  	_ =	shalt  }
0x64: {  	_ =	shalt  }
0x65: {  	_ =	shalt  }
0x66: {  	_ =	shalt  }
0x67: {  	_ =	shalt  }
0x68: {  	_ =	shalt  }
0x69: {  	_ =	shalt  }
0x6a: {  	_ =	shalt  }
0x6b: {  	_ =	shalt  }
0x6c: {  	_ =	shalt  }
0x6d: {  	_ =	shalt  }
0x6e: {  	_ =	shalt  }
0x6f: {  	_ =	shalt  }
0x70: {  	_ =	shalt  }
0x71: {  	_ =	shalt  }
0x72: {  	_ =	shalt  }
0x73: {  	_ =	shalt  }
0x74: {  	_ =	shalt  }
0x75: {  	_ =	shalt  }
0x76: {  	_ =	shalt  }
0x77: {  	_ =	shalt  }
0x78: {  	_ =	shalt  }
0x79: {  	_ =	shalt  }
0x7a: {  	_ =	shalt  }
0x7b: {  	_ =	shalt  }
0x7c: {  	_ =	shalt  }
0x7d: {  	_ =	shalt  }
0x7e: {  	_ =	shalt  }
0x7f: {  	_ =	shalt  }
0x80: {  	_ =	shalt  }
0x81: {  	_ =	shalt  }
0x82: {  	_ =	shalt  }
0x83: {  	_ =	shalt  }
0x84: {  	_ =	shalt  }
0x85: {  	_ =	shalt  }
0x86: {  	_ =	shalt  }
0x87: {  	_ =	shalt  }
.Lfunc_end0:
.L_simem_size_0:
called_computation_lowered:
.L_overlay_start_0:
0x88: {  	s2 =	sld [smem:$0x3FD9]  }
0x89: {  	s3 =	sld [smem:$0x3FFE];
	_ =	sdelay $0x1  }
0x8a: {  	s1 =	srdreg.scid  }
0x8b: {  	s0 =	sand.u32 $0x1, s1  }
0x8c: {  	s17 =	sshll.u32 s0, $0xA;
	s2 =	sadd.s32 s3, s2  }
0x8d: {  	s2 =	sadd.s32 s2, s17  }
0x8e: {  	[smem:$0x3FC4] =	sst s2  }
0x8f: {  	_ = 	snop  }
0x90: {  	s2 =	sld [smem:$0x3FD0];
	(tm) =	ssettm $0x1  }
0x91: {  	s18 =	sld [smem:$0x3FFB];
	_ =	sdelay $0x3  }
0x92: {  	_ =	strace s18  }
0x93: {  	s3 =	sld [smem:$0x3FFC];
	_ =	sdelay $0x3  }
0x94: {  	_ =	strace s3  }
0x95: {  	s3 =	sld [smem:$0x3FFD];
	_ =	sdelay $0x3  }
0x96: {  	_ =	strace s3  }
0x97: {  	_ =	strace $0x8FFFFFFF  }
0x98: {  	s19 =	sld [smem:$0x3FDB];
	_ =	sdelay $0x1  }
0x99: {  	s4 =	simm.s32 $_scs_section_size  }
0x9a: {  	s5 =	simm.s32 $_size__tile_overlayer_lowered;
	s6 =	simm.s32 $_tile_overlayer_lowered  }
0x9b: {  	s22 =	simm.s32 $0x1BFF;
	s21 =	sshll.u32 s6, $0x1;
	s3 =	sadd.s32 s4, s19  }
0x9c: {  	s7 =	simm.s32 $0x0;
	s20 =	sshll.u32 s5, $0x1;
	s5 =	sadd.s32 s21, s3  }
0x9d: {  	[timem:s7], [sflag:s22] =	dma.local [hbm:s5], s20  }
0x9e: {  	_ =	swait.ge [sflag:s22], s20  }
0x9f: {  	s4 =	ssub.s32 $0x0, s20;
	[sflag:s22] =	ssyncset.done $0x0  }
0xa0: {  	[sflag:s22] =	ssyncadd.s32 s4;
	_ =	sdelay $0x1  }
0xa1: {  	s23 =	simm.s32 $0x1B8B  }
0xa2: {  	_ =	swait.ge [sflag:s23], $0x1  }
0xa3: {  	[sflag:s23] =	ssyncset.done $0x0  }
0xa4: {  	s25 =	simm.s32 $0x1B8E;
	s24 =	sld [smem:$0x3FFE];
	[sflag:s23] =	ssyncadd.s32 $0xFFFFFFFF  }
0xa5: {  	s26 =	simm.s32 $execute0_lowered;
	[smem:$0x3FD2] =	sst s25  }
0xa6: {  	s5 =	sshll.u32 s26, $0x1;
	_ =	strace $0x80000046;
	[dreg:$0x1] =	wrdreg $0xFFFFFFFF  }
0xa7: {  	s28 =	simm.s32 $_size_execute0_lowered;
	s3 =	sadd.s32 s3, s5;
	[dreg:$0x0] =	wrdreg $0x0  }
0xa8: {  	s5 =	sshll.u32 s28, $0x1;
	[dreg:$0x2] =	wrdreg s3  }
0xa9: {  	[dreg:$0x3] =	wrdreg s5  }
0xaa: {  	[dreg:$0x4] =	wrdreg $0xC0  }
0xab: {  	_ =	task [dreg:s7], $0x5FFFF  }
0xac: {  	[dreg:$0x1] =	wrdreg $0xFFFFFFFF  }
0xad: {  	[dreg:$0x0] =	wrdreg $0x60  }
0xae: {  	[dreg:$0x2] =	wrdreg s24  }
0xaf: {  	[dreg:$0x3] =	wrdreg s2  }
0xb0: {  	[dreg:$0x4] =	wrdreg $0x9  }
0xb1: {  	_ =	task.clear_ibuf [dreg:s7], $0x5FFFF;
	_ =	strace $0x90000046  }
0xb2: {  	s29 =	simm.s32 $0x9;
	_ =	strace $0x80000048  }
0xb3: {  	_ =	swait.ge [sflag:s29], $0x1  }
0xb4: {  	[sflag:s29] =	ssyncadd.s32 $0xFFFFFFFF  }
0xb5: {  	_ =	strace $0x90000048  }
0xb6: {  	_ =	sfence  }
0xb7: {  	s30 =	sld [smem:$0x0];
	_ =	sdelay $0x2  }
0xb8: {  	s31 =	sshll.u32 s1, $0xD;
	s1 =	sshrl.u32 s1, $0x2  }
0xb9: {  	s3 =	sand.u32 $0x4000, s31;
	s1 =	sadd.s32 s1, s30  }
0xba: {  	s0 =	sor.u32 s3, s0;
	s1 =	sshll.u32 s1, $0x11  }
0xbb: {  	s0 =	sor.u32 s1, s0  }
0xbc: {  	s0 =	sadd.s32 $0x8F2B, s0  }
0xbd: {  	[sflag:s0] =	ssyncadd.remote.s32 $0x1  }
0xbe: {  	_ =	sfence.sel $0xFFFF  }
0xbf: {  	[dreg:$0x0] =	wrdreg $0xFFFFFFFF;
	(pc) =	sbr.abs _section_cstart, $3  }
0xc0: {  	[dreg:$0x1] =	wrdreg $0xFFFFFFFF  }
0xc1: {  	_ =	task.clear_ibuf [dreg:s7], $0x2FFFF;
	_ =	strace $0x9FFFFFFF  }
0xc2: {  	(tm) =	ssettm $0x7FFFFFFF  }
0xc3: {  	_ =	shalt  }
tec
execute0_lowered:
.L_overlay_start_1:
0x0: {  	(tag) =	ssettag $0x1  }
0x1: {  	s3 =	rddreg [dreg:$0x0];
	s1 =	srdreg.scid  }
0x2: {  	s0 =	stileid.u32;
	s4 =	rddreg [dreg:$0x1]  }
0x3: {  	s8 =	simm.s32 $0x0;
	s5 =	sand.u32 $0x1, s1;
	s2 =	sshll.u32 s0, $0x1  }
0x4: {  	s1 =	rddreg [dreg:$0x2];
	s6 =	sor.u32 s5, s2;
	s2 =	simm.s32 $0x0  }
0x5: {  	s5 =	ssub.s32 $0x2, s5;
	s6 =	smul.u32 $0xC80, s6;
	[smem:$0x7FF] =	sst s2  }
0x6: {  	s3 =	sadd.s32 $0x400, s3;
	s7 =	sshrl.u32 s5, $0x1;
	_ =	strace $0x80000047  }
0x7: {  	s5 =	ssub.s32 s5, s7;
	s7 =	simm.s32 $0x4000;
	s31 =	sshrl.u32 s6, $0x3  }
0x8: {  	v1 =	vimm.f32 $0.0e+00;
	v2 =	vimm.f32 $1.000000000e+00;
	s5 =	smax.u32 s5, $0x1;
	v0 =	vmov s6;
	s6 =	simm.s32 $0x1;
	s4 =	sadd.s32 s4, s31  }
.LBB2_1:
0x9: {  	[tilespmem:s2], [sflag:$0x1] =	stream.linear.gather [hbm4b:s3+s2], $0x4000, $0x38;
	[tilespmem:$0x4C80] =	vst v63  }
0xa: {  	_ =	swait.ge [sflag:s6], $0x4000  }
0xb: {  	[sflag:s6] =	ssyncset.done $0x0  }
0xc: {  	s11 =	simm.s32 $0x4040;
	[sflag:s6] =	ssyncadd.s32 $0xFFFFC000  }
0xd: {  	[tilespmem:s11+$0xFFFFFFC0] =	vst v1  }
0xe: {  	[tilespmem:s11+$0x30] =	vst v1  }
0xf: {  	[tilespmem:s11+$0x20] =	vst v1  }
0x10: {  	[tilespmem:s11+$0x10] =	vst v1  }
0x11: {  	[tilespmem:s11+$0x0] =	vst v1  }
0x12: {  	[tilespmem:s11+$0xFFFFFFF0] =	vst v1  }
0x13: {  	s9 =	simm.s32 $0xFFFFFFF8;
	s12 =	simm.s32 $0x0;
	[tilespmem:s11+$0xFFFFFFE0] =	vst v1  }
.LBB2_2:
0x14: {  	s12 =	sadd.s32 $0x8, s12;
	[tilespmem:s11+$0xFFFFFFD0] =	vst v1;
	s11 =	sadd.s32 $0x80, s11;
	s10 =	simm.s32 $0x40  }
0x15: {  	[tilespmem:s11+$0xFFFFFFC0] =	vst v1;
	p0 =	slt.u32 s12, $0xC0  }
0x16: {  	[tilespmem:s11+$0x30] =	vst v1  }
.Ltmp0:
0x17: {  	[tilespmem:s11+$0x20] =	vst v1;
	(pc) =	sbr.rel @p0 .LBB2_2-.Ltmp0, $4  }
0x18: {  	[tilespmem:s11+$0x10] =	vst v1  }
0x19: {  	[tilespmem:s11+$0x0] =	vst v1  }
0x1a: {  	[tilespmem:s11+$0xFFFFFFF0] =	vst v1  }
0x1b: {  	[tilespmem:s11+$0xFFFFFFE0] =	vst v1  }
0x1c: {  	[tilespmem:s11+$0xFFFFFFD0] =	vst v1  }
.LBB2_4:
0x1d: {  	v3 =	vld [tilespmem:s10+$0xFFFFFFC0];
	_ =	sdelay $0x4  }
0x1e: {  	v4 =	vsub.s32 v3, v0  }
0x1f: {  	v3 =	vand.u32 $0x7F, v3;
	vm0 =	vlt.u32 v4, $0xC80;
	v4 =	vand.u32 $0xFFFFFF80, v4  }
0x20: {  	v3 =	vor.u32 v3, v4;
	_ =	sdelay $0x4  }
0x21: {  	[tilespmem:v3+s7+$0x0] =	vst.idx.msk vm0, v2  }
0x22: {  	v3 =	vld [tilespmem:s10+$0xFFFFFFD0];
	_ =	sdelay $0x4  }
0x23: {  	v57 =	vsub.s32 v3, v0  }
0x24: {  	v3 =	vand.u32 $0x7F, v3;
	vm9 =	vlt.u32 v57, $0xC80;
	v4 =	vand.u32 $0xFFFFFF80, v57  }
0x25: {  	v3 =	vor.u32 v3, v4;
	_ =	sdelay $0x4  }
0x26: {  	[tilespmem:v3+s7+$0x0] =	vst.idx.msk vm9, v2  }
0x27: {  	v3 =	vld [tilespmem:s10+$0xFFFFFFE0];
	_ =	sdelay $0x4  }
0x28: {  	v58 =	vsub.s32 v3, v0  }
0x29: {  	v3 =	vand.u32 $0x7F, v3;
	vm10 =	vlt.u32 v58, $0xC80;
	v4 =	vand.u32 $0xFFFFFF80, v58  }
0x2a: {  	v3 =	vor.u32 v3, v4;
	_ =	sdelay $0x4  }
0x2b: {  	[tilespmem:v3+s7+$0x0] =	vst.idx.msk vm10, v2  }
0x2c: {  	v3 =	vld [tilespmem:s10+$0xFFFFFFF0];
	_ =	sdelay $0x4  }
0x2d: {  	v59 =	vsub.s32 v3, v0  }
0x2e: {  	v3 =	vand.u32 $0x7F, v3;
	vm11 =	vlt.u32 v59, $0xC80;
	v4 =	vand.u32 $0xFFFFFF80, v59  }
0x2f: {  	v3 =	vor.u32 v3, v4;
	_ =	sdelay $0x4  }
0x30: {  	[tilespmem:v3+s7+$0x0] =	vst.idx.msk vm11, v2  }
0x31: {  	v3 =	vld [tilespmem:s10+$0x0];
	_ =	sdelay $0x4  }
0x32: {  	v60 =	vsub.s32 v3, v0  }
0x33: {  	v3 =	vand.u32 $0x7F, v3;
	vm12 =	vlt.u32 v60, $0xC80;
	v4 =	vand.u32 $0xFFFFFF80, v60  }
0x34: {  	v3 =	vor.u32 v3, v4;
	_ =	sdelay $0x4  }
0x35: {  	[tilespmem:v3+s7+$0x0] =	vst.idx.msk vm12, v2  }
0x36: {  	v3 =	vld [tilespmem:s10+$0x10];
	_ =	sdelay $0x4  }
0x37: {  	v61 =	vsub.s32 v3, v0  }
0x38: {  	v3 =	vand.u32 $0x7F, v3;
	vm13 =	vlt.u32 v61, $0xC80;
	v4 =	vand.u32 $0xFFFFFF80, v61  }
0x39: {  	v3 =	vor.u32 v3, v4;
	_ =	sdelay $0x4  }
0x3a: {  	[tilespmem:v3+s7+$0x0] =	vst.idx.msk vm13, v2  }
0x3b: {  	v3 =	vld [tilespmem:s10+$0x20];
	_ =	sdelay $0x4  }
0x3c: {  	v62 =	vsub.s32 v3, v0  }
0x3d: {  	v3 =	vand.u32 $0x7F, v3;
	vm14 =	vlt.u32 v62, $0xC80;
	v4 =	vand.u32 $0xFFFFFF80, v62  }
0x3e: {  	v3 =	vor.u32 v3, v4;
	_ =	sdelay $0x4  }
0x3f: {  	[tilespmem:v3+s7+$0x0] =	vst.idx.msk vm14, v2  }
0x40: {  	v3 =	vld [tilespmem:s10+$0x30];
	_ =	sdelay $0x4  }
0x41: {  	v63 =	vsub.s32 v3, v0  }
0x42: {  	s9 =	sadd.s32 $0x8, s9;
	v3 =	vand.u32 $0x7F, v3;
	vm15 =	vlt.u32 v63, $0xC80;
	v4 =	vand.u32 $0xFFFFFF80, v63  }
0x43: {  	p0 =	slt.u32 s9, $0x3F8;
	v3 =	vor.u32 v3, v4  }
.Ltmp1:
0x44: {  	_ = 	snop;
	(pc) =	sbr.rel @p0 .LBB2_4-.Ltmp1, $2  }
0x45: {  	_ =	sdelay $0x2  }
0x46: {  	s10 =	sadd.s32 $0x80, s10;
	[tilespmem:v3+s7+$0x0] =	vst.idx.msk vm15, v2  }
0x47: {  	s8 =	sadd.s32 $0x1, s8  }
0x48: {  	p0 =	sne.s32 s8, s5  }
.Ltmp2:
0x49: {  	_ = 	snop;
	(pc) =	sbr.rel @p0 .LBB2_1-.Ltmp2, $4  }
0x4a: {  	[hbm4b:s4+s2] =	stream.linear.scatter [tilespmem:s7], [sflag:$0x1], $0xC80, $0x38;
	[tilespmem:$0x4C80] =	vst v63  }
0x4b: {  	_ =	swait.ge [sflag:s6], $0xC80  }
0x4c: {  	[sflag:s6] =	ssyncset.done $0x0  }
0x4d: {  	[sflag:s6] =	ssyncadd.s32 $0xFFFFF380  }
0x4e: {  	_ =	sfence.sel $0x180000  }
0x4f: {  	[bflag:$0x0] =	sbarrier.arrive $0xFFFF  }
0x50: {  	p0 =	sne.s32 s0, $0x0;
	_ =	strace $0x90000047  }
0x51: {  	s0 =	sadd.s32 @!p0 $0x100000, s1;
	[bflag:$0x2] =	sbarrier.arrive $0xFFFF  }
0x52: {  	[sflag:s0] =	ssyncadd.tile.s32 @!p0 $0x1;
	_ =	shalt  }
.Lfunc_end2:
_tile_overlayer_lowered:
.L_overlay_start_2:
0x53: {  	(tag) =	ssettag $0x2  }
0x54: {  	s0 =	rddreg [dreg:$0x0];
	s2 =	stileid.u32  }
0x55: {  	s1 =	rddreg [dreg:$0x1];
	p0 =	sne.s32 s2, $0x0  }
0x56: {  	s3 =	rddreg [dreg:$0x2];
	[bflag:$0x3] =	sbarrier.arrive $0xFFFF;
	s2 =	simm.s32 @!p0 $0x1C01  }
0x57: {  	[timem:s3], [sflag:s2] =	dma.local @!p0 [hbm:s0], s1  }
0x58: {  	s0 =	simm.s32 @!p0 $0x1  }
0x59: {  	_ =	swait.ge @!p0 [sflag:s0], s1  }
0x5a: {  	s1 =	ssub.s32 @!p0 $0x0, s1;
	[sflag:s0] =	ssyncset.done @!p0 $0x0  }
0x5b: {  	[sflag:s0] =	ssyncadd.s32 @!p0 s1  }
0x5c: {  	[bflag:$0x3] =	sbarrier.arrive $0xFFFF  }
0x5d: {  	_ =	shalt  }

</sc_bundles>
